<compile_context>
chip_gen: v7x
topology: tpu7x:2x2x1
jax: 0.10.2.dev20260603
libtpu: 0.0.44.dev20260713+nightly
codegen_flags: <defaults>
</compile_context>

<pallas_src>
import functools

import jax
import jax.numpy as jnp
import jax.scipy.linalg as jsl
from jax import lax
from jax.experimental import pallas as pl
from jax.experimental.pallas import tpu as pltpu
from jax.experimental.pallas import tpu_sc as plsc

N = 10000
NPAD = 10240
E = 320000
NW = 32
EW = E // NW
CH = 125
NCH = EW // CH
NBUF = 8
NBLK = NCH // NBUF
RPT = NPAD // 16
@functools.cache
def _mesh():
    return plsc.VectorSubcoreMesh(core_axis_name="c", subcore_axis_name="s")


def _zero_fill(ref, rows, width):
    def body(r, _):
        for k in range(width // 16):
            ref[r, pl.ds(k * 16, 16)] = jnp.zeros((16,), jnp.float32)
        return 0
    lax.fori_loop(0, rows, body, 0)


@functools.partial(jax.jit, static_argnums=(0,))
def _propagate(F, v, col3, row3):

    @functools.partial(
        pl.kernel,
        out_type=jax.ShapeDtypeStruct((2, NPAD, F), jnp.float32),
        mesh=_mesh(),
        scratch_types=[
            pltpu.VMEM((NCH, CH), jnp.int32),
            pltpu.VMEM((NCH, CH), jnp.int32),
            pltpu.VMEM((NBUF, CH, F), jnp.float32),
            pltpu.VMEM((RPT, F), jnp.float32),
            pltpu.VMEM_SHARED((NPAD, F), jnp.float32),
        ] + [pltpu.SemaphoreType.DMA] * (2 * NBUF),
        compiler_params=pltpu.CompilerParams(use_tc_tiling_on_sc=False),
    )
    def prop(v_hbm, col_hbm, row_hbm, z_hbm, out_hbm, colv, rowv, vals, stage,
             accum, *sems):
        gsem, ssem = sems[:NBUF], sems[NBUF:]
        ci = lax.axis_index("c")
        si = lax.axis_index("s")
        wid = ci * 16 + si
        pltpu.sync_copy(col_hbm.at[wid], colv)
        pltpu.sync_copy(row_hbm.at[wid], rowv)
        pltpu.sync_copy(z_hbm.at[pl.ds(si * RPT, RPT)], stage)
        pltpu.sync_copy(stage, accum.at[pl.ds(si * RPT, RPT)])
        for b in range(NBUF):
            pltpu.async_copy(v_hbm.at[colv.at[b]], vals.at[b], gsem[b])
        plsc.subcore_barrier()

        def body(t, _):
            base = t * NBUF
            for b in range(NBUF):
                j = base + b
                pltpu.make_async_copy(v_hbm.at[colv.at[j]], vals.at[b],
                                      gsem[b]).wait()
                pltpu.async_copy(vals.at[b], accum.at[rowv.at[j]], ssem[b],
                                 add=True)
            for b in range(NBUF):
                j = base + b
                pltpu.make_async_copy(vals.at[b], accum.at[rowv.at[j]],
                                      ssem[b]).wait()

                @pl.when(t != NBLK - 1)
                def _():
                    pltpu.async_copy(v_hbm.at[colv.at[j + NBUF]], vals.at[b],
                                     gsem[b])
            return 0
        lax.fori_loop(0, NBLK, body, 0)

        plsc.subcore_barrier()
        pltpu.sync_copy(accum.at[pl.ds(si * RPT, RPT)], stage)
        pltpu.sync_copy(stage, out_hbm.at[ci].at[pl.ds(si * RPT, RPT)])

    return prop(v, col3, row3, jnp.zeros((NPAD, F), jnp.float32))


@jax.jit
def _degree(row3):
    F = 16

    @functools.partial(
        pl.kernel,
        out_type=jax.ShapeDtypeStruct((2, NPAD, F), jnp.float32),
        mesh=_mesh(),
        scratch_types=[
            pltpu.VMEM((NCH, CH), jnp.int32),
            pltpu.VMEM((CH, F), jnp.float32),
            pltpu.VMEM((RPT, F), jnp.float32),
            pltpu.VMEM_SHARED((NPAD, F), jnp.float32),
            pltpu.SemaphoreType.DMA,
        ],
        compiler_params=pltpu.CompilerParams(use_tc_tiling_on_sc=False),
    )
    def deg(row_hbm, out_hbm, rowv, ones, stage, accum, sem):
        ci = lax.axis_index("c")
        si = lax.axis_index("s")
        wid = ci * 16 + si
        _zero_fill(stage, RPT, F)
        pltpu.sync_copy(stage, accum.at[pl.ds(si * RPT, RPT)])

        def fill1(r, _):
            ones[r, pl.ds(0, 16)] = jnp.full((16,), 1.0, jnp.float32)
            return 0
        lax.fori_loop(0, CH, fill1, 0)
        pltpu.sync_copy(row_hbm.at[wid], rowv)
        plsc.subcore_barrier()

        def body(t, _):
            base = t * NBUF
            for b in range(NBUF):
                pltpu.async_copy(ones, accum.at[rowv.at[base + b]], sem,
                                 add=True)
            for b in range(NBUF):
                pltpu.make_async_copy(ones, accum.at[rowv.at[base + b]],
                                      sem).wait()
            return 0
        lax.fori_loop(0, NBLK, body, 0)

        plsc.subcore_barrier()
        pltpu.sync_copy(accum.at[pl.ds(si * RPT, RPT)], stage)
        pltpu.sync_copy(stage, out_hbm.at[ci].at[pl.ds(si * RPT, RPT)])

    return deg(row3)



F16 = NPAD // 8
F32 = NPAD // 4


def _pc(body, out_shapes, *args):
    return pl.pallas_call(body, out_shape=out_shapes)(*args)


def _sds(*shape):
    return jax.ShapeDtypeStruct(shape, jnp.float32)


def _k_entry(xg, wc, wa, wb, bt):
    def body(x_ref, wc_ref, wa_ref, wb_ref, b_ref, c_ref, a_ref, bb_ref):
        x_ = x_ref[...]
        c_ref[...] = jnp.dot(x_, wc_ref[...],
                             preferred_element_type=jnp.float32) + b_ref[...]
        a_ref[...] = jnp.dot(x_, wa_ref[...], preferred_element_type=jnp.float32)
        bb_ref[...] = jnp.dot(x_, wb_ref[...], preferred_element_type=jnp.float32)
    return _pc(body, [_sds(F16, 128)] * 3, xg, wc, wa, wb, bt)


def _k_g_q(d, bb):
    def body(d_ref, bb_ref, g_ref, q_ref):
        deg = d_ref[0] + d_ref[1]
        g = jnp.where(deg > 0, lax.rsqrt(jnp.where(deg > 0, deg, 1.0)), 0.0)
        g_ref[...] = g
        q_ref[...] = g * bb_ref[...]
    return _pc(body, [_sds(F16, 128)] * 2, d, bb)


def _k_mid_post(a, g, p):
    def body(a_ref, g_ref, p_ref, q_ref):
        g_ = g_ref[...]
        q_ref[...] = g_ * (a_ref[...] - 2.0 * g_ * (p_ref[0] + p_ref[1]))
    return _pc(body, _sds(*a.shape), a, g, p)


def _k_post_to_pre(c, g, p):
    def body(c_ref, g_ref, p_ref, h_ref, q_ref):
        g_ = g_ref[...]
        h_ = jnp.maximum(c_ref[...] - g_ * (p_ref[0] + p_ref[1]), 0.0)
        h_ref[...] = h_
        q_ref[...] = g_ * h_
    return _pc(body, [_sds(*c.shape)] * 2, c, g, p)


def _k_mid_pre16(g, p):
    def body(g_ref, p_ref, t_ref, q_ref):
        g_ = g_ref[...]
        t_ = -g_ * (p_ref[0] + p_ref[1])
        t_ref[...] = t_
        q_ref[...] = g_ * t_
    return _pc(body, [_sds(F16, 128)] * 2, g, p)


def _k_pre_to_pre(h, tx1, g, p, ws, bt, rep):
    def body(h_ref, t1_ref, g_ref, p_ref, w_ref, b_ref, r_ref, hn_ref, q_ref):
        h_ = h_ref[...]
        g_ = g_ref[...]
        tx2 = -2.0 * g_ * (p_ref[0] + p_ref[1]) - h_
        hn = jnp.maximum(
            jnp.dot(h_, w_ref[0], preferred_element_type=jnp.float32)
            + jnp.dot(t1_ref[...], w_ref[1], preferred_element_type=jnp.float32)
            + jnp.dot(tx2, w_ref[2], preferred_element_type=jnp.float32)
            + b_ref[...], 0.0)
        gw = jnp.dot(g_, r_ref[...], preferred_element_type=jnp.float32)
        hn_ref[...] = hn
        q_ref[...] = gw * hn
    return _pc(body, [_sds(F16, 256)] * 2, h, tx1, g, p, ws, bt, rep)


def _k_mid_pre32(gr, rep, p):
    def body(gr_ref, r_ref, p_ref, g32_ref, t_ref, q_ref):
        g32 = jnp.dot(gr_ref[...], r_ref[...], preferred_element_type=jnp.float32)
        t_ = -g32 * (p_ref[0] + p_ref[1])
        g32_ref[...] = g32
        t_ref[...] = t_
        q_ref[...] = g32 * t_
    return _pc(body, [_sds(F32, 128)] * 3, gr, rep, p)


def _k_pre_to_post(h2, tx1, g32, p, w3, b3t, w4, b4t, gr):
    def body(h_ref, t1_ref, g32_ref, p_ref, w3_ref, b3_ref, w4_ref, b4_ref,
             gr_ref, c_ref, a_ref, q_ref):
        h_ = h_ref[...]
        tx2 = -2.0 * g32_ref[...] * (p_ref[0] + p_ref[1]) - h_
        h3 = jnp.maximum(
            jnp.dot(h_, w3_ref[0], preferred_element_type=jnp.float32)
            + jnp.dot(t1_ref[...], w3_ref[1], preferred_element_type=jnp.float32)
            + jnp.dot(tx2, w3_ref[2], preferred_element_type=jnp.float32)
            + b3_ref[...], 0.0)
        c_ref[...] = jnp.dot(h3, w4_ref[0] - w4_ref[2],
                             preferred_element_type=jnp.float32) + b4_ref[...]
        a_ref[...] = jnp.dot(h3, w4_ref[1], preferred_element_type=jnp.float32)
        q_ref[...] = gr_ref[...] * jnp.dot(h3, w4_ref[2],
                                           preferred_element_type=jnp.float32)
    return _pc(body, [_sds(F32, 64)] * 3, h2, tx1, g32, p, w3, b3t, w4, b4t, gr)


def _k_z(c, g, p):
    def body(c_ref, g_ref, p_ref, z_ref):
        z_ref[...] = c_ref[...] - g_ref[...] * (p_ref[0] + p_ref[1])
    return _pc(body, _sds(F16, 128), c, g, p)


def _k_final(zn, nclass):
    def body(z_ref, o_ref):
        z = z_ref[...]
        colid = lax.broadcasted_iota(jnp.int32, (NPAD, 16), 1)
        valid = colid < nclass
        zm = jnp.where(valid, z, -jnp.inf)
        m = jnp.max(zm, axis=1, keepdims=True)
        ex = jnp.where(valid, jnp.exp(z - m), 0.0)
        lse = jnp.log(jnp.sum(ex, axis=1, keepdims=True))
        o_ref[...] = (z - m - lse)[:N, :nclass]
    return _pc(body, _sds(N, nclass), zn)




def _bd(w, k):
    return jsl.block_diag(*([w] * k))


def _bt(b, k):
    return jnp.tile(b.reshape(1, -1), (1, k))


def kernel(x, edge_index, W1, b1, W2, b2, W3, b3, W4, b4):
    ei = edge_index.astype(jnp.int32)
    row3 = ei[0].reshape(NW, NCH, CH)
    col3 = ei[1].reshape(NW, NCH, CH)
    xg = jnp.pad(x, ((0, NPAD - N), (0, 0))).reshape(NPAD // 8, 8 * 128)

    rep = jnp.zeros((16, 32), jnp.float32).at[0, :].set(1.0)
    w1c = _bd(W1[0] - W1[2], 8)
    w1a = _bd(W1[1], 8)
    w1b = _bd(W1[2], 8)
    b1t = _bt(b1, 8)
    w2s = jnp.stack([_bd(W2[k], 8) for k in range(3)])
    b2t = _bt(b2, 8)
    rep_h = _bd(rep, 8)
    w3s = jnp.stack([_bd(W3[k], 4) for k in range(3)])
    b3t = _bt(b3, 4)
    rep_r = _bd(rep, 4)
    W4p = jnp.pad(W4, ((0, 0), (0, 0), (0, 10)))
    w4s = jnp.stack([_bd(W4p[k], 4) for k in range(3)])
    b4t = _bt(jnp.pad(b4, (0, 10)), 4)

    dpart = _degree(row3)
    df = dpart.reshape(2, F16, 128)
    c, a, bb = _k_entry(xg, w1c, w1a, w1b, b1t)
    g, q = _k_g_q(df, bb)

    p = _propagate(16, q.reshape(NPAD, 16), col3, row3).reshape(2, F16, 128)
    q = _k_mid_post(a, g, p)
    p = _propagate(16, q.reshape(NPAD, 16), col3, row3).reshape(2, F16, 128)
    h, q = _k_post_to_pre(c, g, p)

    p = _propagate(16, q.reshape(NPAD, 16), col3, row3).reshape(2, F16, 128)
    tx1, q = _k_mid_pre16(g, p)
    p = _propagate(16, q.reshape(NPAD, 16), col3, row3).reshape(2, F16, 128)
    h2b, q2b = _k_pre_to_pre(h, tx1, g, p, w2s, b2t, rep_h)
    h2 = h2b.reshape(F32, 128)
    gr = g.reshape(F32, 64)

    p = _propagate(32, q2b.reshape(NPAD, 32), col3, row3).reshape(2, F32, 128)
    g32, tx1, q = _k_mid_pre32(gr, rep_r, p)
    p = _propagate(32, q.reshape(NPAD, 32), col3, row3).reshape(2, F32, 128)
    cb, ab, qb = _k_pre_to_post(h2, tx1, g32, p, w3s, b3t, w4s, b4t, gr)

    c4 = cb.reshape(F16, 128)
    a4 = ab.reshape(F16, 128)
    p = _propagate(16, qb.reshape(NPAD, 16), col3, row3).reshape(2, F16, 128)
    q = _k_mid_post(a4, g, p)
    p = _propagate(16, q.reshape(NPAD, 16), col3, row3).reshape(2, F16, 128)
    zn = _k_z(c4, g, p).reshape(NPAD, 16)
    return _k_final(zn, 6)

# --- scband reference (transcript-rebuilt; emitter-appended) ---
"""Pipeline reference for scband-net-9191230013860 (READ-ONLY COPY).

The authoritative reference and input builder live on the scoring server;
editing this copy changes nothing except your own understanding.
"""

import jax, jax.numpy as jnp
import numpy as np

N = 10000
E = 320000
D_IN = 128
K = 3
LAYER_DIMS = [(128, 16), (16, 32), (32, 64), (64, 6)]


def setup_inputs(seed: int = 0) -> dict:
    key = jax.random.key(seed)
    ks = jax.random.split(key, 2 + 2 * len(LAYER_DIMS))
    x = jax.random.normal(ks[0], (N, D_IN), dtype=jnp.float32)
    edge_index = jax.random.randint(ks[1], (2, E), 0, N, dtype=jnp.int64)
    inp = {"x": x, "edge_index": edge_index}
    for i, (fi, fo) in enumerate(LAYER_DIMS):
        scale = 1.0 / np.sqrt(K * fi)
        inp[f"W{i+1}"] = jax.random.normal(ks[2 + 2 * i], (K, fi, fo), dtype=jnp.float32) * scale
        inp[f"b{i+1}"] = jnp.zeros((fo,), dtype=jnp.float32)
    return inp


def _cheb_conv(x, row, col, norm, W, b):
    # ChebConv with K=3, sym normalization, lambda_max=2 => Lhat = -D^{-1/2} A D^{-1/2}
    n = x.shape[0]

    def lhat(t):
        return jax.ops.segment_sum(t[col] * norm[:, None], row, num_segments=n)

    Tx0 = x
    Tx1 = lhat(Tx0)
    Tx2 = 2.0 * lhat(Tx1) - Tx0
    return Tx0 @ W[0] + Tx1 @ W[1] + Tx2 @ W[2] + b


def reference(x, edge_index, W1, b1, W2, b2, W3, b3, W4, b4):
    row, col = edge_index[0], edge_index[1]
    n = x.shape[0]
    deg = jax.ops.segment_sum(jnp.ones(row.shape, dtype=x.dtype), row, num_segments=n)
    deg_inv_sqrt = jnp.where(deg > 0, 1.0 / jnp.sqrt(jnp.where(deg > 0, deg, 1.0)), 0.0)
    norm = -deg_inv_sqrt[row] * deg_inv_sqrt[col]
    h = jax.nn.relu(_cheb_conv(x, row, col, norm, W1, b1))
    h = jax.nn.relu(_cheb_conv(h, row, col, norm, W2, b2))
    h = jax.nn.relu(_cheb_conv(h, row, col, norm, W3, b3))
    h = _cheb_conv(h, row, col, norm, W4, b4)
    return jax.nn.log_softmax(h, axis=1)

if __name__ == "__main__":
    import jax
    _d = setup_inputs()
    print(jax.jit(kernel)(*tuple(_d.values())))

</pallas_src>

<mosaic_0001>
#map = affine_map<(d0, d1) -> (0, 0, 0)>
module attributes {stable_mosaic.version = 14 : i64} {
  func.func @deg(%arg0: i32, %arg1: i32, %arg2: memref<32x80x125xi32, #tpu.memory_space<hbm>>, %arg3: memref<2x10240x16xf32, #tpu.memory_space<hbm>>, %arg4: memref<80x125xi32, #tpu.memory_space<vmem>>, %arg5: memref<125x16xf32, #tpu.memory_space<vmem>>, %arg6: memref<640x16xf32, #tpu.memory_space<vmem>>, %arg7: memref<10240x16xf32, #tpu.memory_space<vmem_shared>>, %arg8: memref<!tpu.dma_semaphore, #tpu.memory_space<semaphore_mem>>) attributes {dimension_semantics = [#tpu.dimension_semantics<core_parallel>, #tpu.dimension_semantics<subcore_parallel>], iteration_bounds = array<i64: 2, 16>, scalar_prefetch = 0 : i64, scratch_operands = 5 : i64, tpu.core_type = #tpu.core_type<sc_vector_subcore>, window_params = [{transform_indices = #map}, {transform_indices = #map}]} {
    %mul3A = arith.constant 16 : i32
    %mul3A_0 = arith.muli %arg0, %mul3A : i32
    %add3A = arith.addi %mul3A_0, %arg1 : i32
    %scan3A = arith.constant 0 : i32
    %scan3A_1 = arith.constant 0 : i32
    %scan3A_2 = arith.constant 640 : i32
    %scan3A_3 = arith.addi %scan3A_1, %scan3A_2 : i32
    %scan3A_4 = arith.constant 1 : i32
    %scan3A_5 = scf.for %scan3A_28 = %scan3A_1 to %scan3A_3 step %scan3A_4 iter_args(%scan3A_29 = %scan3A) -> (i32)  : i32 {
      %broadcast_in_dim3A = arith.constant 0.000000e+00 : f32
      %broadcast_in_dim3A_30 = vector.broadcast %broadcast_in_dim3A : f32 to vector<16xf32>
      %swap3A = arith.index_cast %scan3A_28 : i32 to index
      %swap3A_31 = arith.constant 0 : index
      %swap3A_32 = tpu.vector_load %arg6[%swap3A, %swap3A_31] {strides = array<i32>} : memref<640x16xf32, #tpu.memory_space<vmem>>, vector<1x16xf32>,
      %swap3A_33 = vector.shape_cast %swap3A_32 : vector<1x16xf32> to vector<16xf32>
      %swap3A_34 = vector.shape_cast %broadcast_in_dim3A_30 : vector<16xf32> to vector<1x16xf32>
      tpu.vector_store %arg6[%swap3A, %swap3A_31], %swap3A_34 {strides = array<i32>} : memref<640x16xf32, #tpu.memory_space<vmem>>, vector<1x16xf32>,
      %scan3A_35 = arith.constant 0 : i32
      scf.yield %scan3A_35 : i32
    }
    %scan3A_6 = arith.constant 640 : i32
    %mul3A_7 = arith.constant 640 : i32
    %mul3A_8 = arith.muli %arg1, %mul3A_7 : i32
    "tpu.region"() ({
      %run_scoped3A = tpu.sem_alloc : memref<!tpu.dma_semaphore, #tpu.memory_space<semaphore_mem>>
      %dma_start3A = arith.constant 0 : i32
      %dma_start3A_28 = tpu.memref_slice %arg7[%mul3A_8, %dma_start3A] : memref<10240x16xf32, #tpu.memory_space<vmem_shared>> -> memref<640x16xf32, #tpu.memory_space<vmem_shared>>
      %dma_start3A_29 = arith.constant 0 : i32
      %dma_start3A_30 = tpu.memref_slice %arg7[%mul3A_8, %dma_start3A_29] : memref<10240x16xf32, #tpu.memory_space<vmem_shared>> -> memref<640x16xf32, #tpu.memory_space<vmem_shared>>
      tpu.enqueue_dma source(%arg6 : memref<640x16xf32, #tpu.memory_space<vmem>>) target(%dma_start3A_30 : memref<640x16xf32, #tpu.memory_space<vmem_shared>>) target_semaphore(%run_scoped3A : memref<!tpu.dma_semaphore, #tpu.memory_space<semaphore_mem>>)
      %dma_wait3A = arith.constant 0 : i32
      %dma_wait3A_31 = tpu.memref_slice %arg7[%mul3A_8, %dma_wait3A] : memref<10240x16xf32, #tpu.memory_space<vmem_shared>> -> memref<640x16xf32, #tpu.memory_space<vmem_shared>>
      %dma_wait3A_32 = arith.constant 0 : i32
      %dma_wait3A_33 = tpu.memref_slice %arg7[%mul3A_8, %dma_wait3A_32] : memref<10240x16xf32, #tpu.memory_space<vmem_shared>> -> memref<640x16xf32, #tpu.memory_space<vmem_shared>>
      tpu.wait_dma2 semaphore(%run_scoped3A : memref<!tpu.dma_semaphore, #tpu.memory_space<semaphore_mem>>) src(%arg6 : memref<640x16xf32, #tpu.memory_space<vmem>>) dst(%dma_wait3A_33 : memref<640x16xf32, #tpu.memory_space<vmem_shared>>)
      tpu.yield
    }) : () -> ()
    %scan3A_9 = arith.constant 0 : i32
    %scan3A_10 = arith.constant 0 : i32
    %scan3A_11 = arith.constant 125 : i32
    %scan3A_12 = arith.addi %scan3A_10, %scan3A_11 : i32
    %scan3A_13 = arith.constant 1 : i32
    %scan3A_14 = scf.for %scan3A_28 = %scan3A_10 to %scan3A_12 step %scan3A_13 iter_args(%scan3A_29 = %scan3A_9) -> (i32)  : i32 {
      %broadcast_in_dim3A = arith.constant 1.000000e+00 : f32
      %broadcast_in_dim3A_30 = vector.broadcast %broadcast_in_dim3A : f32 to vector<16xf32>
      %swap3A = arith.index_cast %scan3A_28 : i32 to index
      %swap3A_31 = arith.constant 0 : index
      %swap3A_32 = tpu.vector_load %arg5[%swap3A, %swap3A_31] {strides = array<i32>} : memref<125x16xf32, #tpu.memory_space<vmem>>, vector<1x16xf32>,
      %swap3A_33 = vector.shape_cast %swap3A_32 : vector<1x16xf32> to vector<16xf32>
      %swap3A_34 = vector.shape_cast %broadcast_in_dim3A_30 : vector<16xf32> to vector<1x16xf32>
      tpu.vector_store %arg5[%swap3A, %swap3A_31], %swap3A_34 {strides = array<i32>} : memref<125x16xf32, #tpu.memory_space<vmem>>, vector<1x16xf32>,
      %scan3A_35 = arith.constant 0 : i32
      scf.yield %scan3A_35 : i32
    }
    %scan3A_15 = arith.constant 125 : i32
    "tpu.region"() ({
      %run_scoped3A = tpu.sem_alloc : memref<!tpu.dma_semaphore, #tpu.memory_space<semaphore_mem>>
      %dma_start3A = arith.constant 0 : i32
      %dma_start3A_28 = arith.constant 0 : i32
      %dma_start3A_29 = tpu.memref_slice %arg2[%add3A, %dma_start3A, %dma_start3A_28] : memref<32x80x125xi32, #tpu.memory_space<hbm>> -> memref<1x80x125xi32, #tpu.memory_space<hbm>>
      %dma_start3A_30 = tpu.memref_squeeze %dma_start3A_29 : memref<1x80x125xi32, #tpu.memory_space<hbm>> -> memref<80x125xi32, #tpu.memory_space<hbm>>
      %dma_start3A_31 = arith.constant 0 : i32
      %dma_start3A_32 = arith.constant 0 : i32
      %dma_start3A_33 = tpu.memref_slice %arg2[%add3A, %dma_start3A_31, %dma_start3A_32] : memref<32x80x125xi32, #tpu.memory_space<hbm>> -> memref<1x80x125xi32, #tpu.memory_space<hbm>>
      %dma_start3A_34 = tpu.memref_squeeze %dma_start3A_33 : memref<1x80x125xi32, #tpu.memory_space<hbm>> -> memref<80x125xi32, #tpu.memory_space<hbm>>
      tpu.enqueue_dma source(%dma_start3A_34 : memref<80x125xi32, #tpu.memory_space<hbm>>) target(%arg4 : memref<80x125xi32, #tpu.memory_space<vmem>>) target_semaphore(%run_scoped3A : memref<!tpu.dma_semaphore, #tpu.memory_space<semaphore_mem>>)
      %dma_wait3A = arith.constant 0 : i32
      %dma_wait3A_35 = arith.constant 0 : i32
      %dma_wait3A_36 = tpu.memref_slice %arg2[%add3A, %dma_wait3A, %dma_wait3A_35] : memref<32x80x125xi32, #tpu.memory_space<hbm>> -> memref<1x80x125xi32, #tpu.memory_space<hbm>>
      %dma_wait3A_37 = tpu.memref_squeeze %dma_wait3A_36 : memref<1x80x125xi32, #tpu.memory_space<hbm>> -> memref<80x125xi32, #tpu.memory_space<hbm>>
      %dma_wait3A_38 = arith.constant 0 : i32
      %dma_wait3A_39 = arith.constant 0 : i32
      %dma_wait3A_40 = tpu.memref_slice %arg2[%add3A, %dma_wait3A_38, %dma_wait3A_39] : memref<32x80x125xi32, #tpu.memory_space<hbm>> -> memref<1x80x125xi32, #tpu.memory_space<hbm>>
      %dma_wait3A_41 = tpu.memref_squeeze %dma_wait3A_40 : memref<1x80x125xi32, #tpu.memory_space<hbm>> -> memref<80x125xi32, #tpu.memory_space<hbm>>
      tpu.wait_dma2 semaphore(%run_scoped3A : memref<!tpu.dma_semaphore, #tpu.memory_space<semaphore_mem>>) src(%dma_wait3A_41 : memref<80x125xi32, #tpu.memory_space<hbm>>) dst(%arg4 : memref<80x125xi32, #tpu.memory_space<vmem>>)
      tpu.yield
    }) : () -> ()
    %barrier3A = arith.constant 0 : index
    tpu.barrier barrier_id(%barrier3A)
    %scan3A_16 = arith.constant 0 : i32
    %scan3A_17 = arith.constant 0 : i32
    %scan3A_18 = arith.constant 10 : i32
    %scan3A_19 = arith.addi %scan3A_17, %scan3A_18 : i32
    %scan3A_20 = arith.constant 1 : i32
    %scan3A_21 = scf.for %scan3A_28 = %scan3A_17 to %scan3A_19 step %scan3A_20 iter_args(%scan3A_29 = %scan3A_16) -> (i32)  : i32 {
      %mul3A_30 = arith.constant 8 : i32
      %mul3A_31 = arith.muli %scan3A_28, %mul3A_30 : i32
      %add3A_32 = arith.constant 0 : i32
      %add3A_33 = arith.addi %mul3A_31, %add3A_32 : i32
      %dma_start3A = arith.constant 0 : i32
      %dma_start3A_34 = tpu.memref_slice %arg4[%add3A_33, %dma_start3A] : memref<80x125xi32, #tpu.memory_space<vmem>> -> memref<1x125xi32, #tpu.memory_space<vmem>>
      %dma_start3A_35 = tpu.memref_squeeze %dma_start3A_34 : memref<1x125xi32, #tpu.memory_space<vmem>> -> memref<125xi32, #tpu.memory_space<vmem>>
      %dma_start3A_36 = arith.constant 0 : i32
      %dma_start3A_37 = arith.constant 0 : i32
      %dma_start3A_38 = tpu.memref_slice %arg7[%dma_start3A_36, %dma_start3A_37] : memref<10240x16xf32, #tpu.memory_space<vmem_shared>> -> memref<10240x16xf32, #tpu.memory_space<vmem_shared>>
      tpu.enqueue_indirect_dma source(%arg5 : memref<125x16xf32, #tpu.memory_space<vmem>>) target(%dma_start3A_38 : memref<10240x16xf32, #tpu.memory_space<vmem_shared>>) offsets(%dma_start3A_35 : memref<125xi32, #tpu.memory_space<vmem>>) semaphore(%arg8 : memref<!tpu.dma_semaphore, #tpu.memory_space<semaphore_mem>>) {add = true}
      %add3A_39 = arith.constant 1 : i32
      %add3A_40 = arith.addi %mul3A_31, %add3A_39 : i32
      %dma_start3A_41 = arith.constant 0 : i32
      %dma_start3A_42 = tpu.memref_slice %arg4[%add3A_40, %dma_start3A_41] : memref<80x125xi32, #tpu.memory_space<vmem>> -> memref<1x125xi32, #tpu.memory_space<vmem>>
      %dma_start3A_43 = tpu.memref_squeeze %dma_start3A_42 : memref<1x125xi32, #tpu.memory_space<vmem>> -> memref<125xi32, #tpu.memory_space<vmem>>
      %dma_start3A_44 = arith.constant 0 : i32
      %dma_start3A_45 = arith.constant 0 : i32
      %dma_start3A_46 = tpu.memref_slice %arg7[%dma_start3A_44, %dma_start3A_45] : memref<10240x16xf32, #tpu.memory_space<vmem_shared>> -> memref<10240x16xf32, #tpu.memory_space<vmem_shared>>
      tpu.enqueue_indirect_dma source(%arg5 : memref<125x16xf32, #tpu.memory_space<vmem>>) target(%dma_start3A_46 : memref<10240x16xf32, #tpu.memory_space<vmem_shared>>) offsets(%dma_start3A_43 : memref<125xi32, #tpu.memory_space<vmem>>) semaphore(%arg8 : memref<!tpu.dma_semaphore, #tpu.memory_space<semaphore_mem>>) {add = true}
      %add3A_47 = arith.constant 2 : i32
      %add3A_48 = arith.addi %mul3A_31, %add3A_47 : i32
      %dma_start3A_49 = arith.constant 0 : i32
      %dma_start3A_50 = tpu.memref_slice %arg4[%add3A_48, %dma_start3A_49] : memref<80x125xi32, #tpu.memory_space<vmem>> -> memref<1x125xi32, #tpu.memory_space<vmem>>
      %dma_start3A_51 = tpu.memref_squeeze %dma_start3A_50 : memref<1x125xi32, #tpu.memory_space<vmem>> -> memref<125xi32, #tpu.memory_space<vmem>>
      %dma_start3A_52 = arith.constant 0 : i32
      %dma_start3A_53 = arith.constant 0 : i32
      %dma_start3A_54 = tpu.memref_slice %arg7[%dma_start3A_52, %dma_start3A_53] : memref<10240x16xf32, #tpu.memory_space<vmem_shared>> -> memref<10240x16xf32, #tpu.memory_space<vmem_shared>>
      tpu.enqueue_indirect_dma source(%arg5 : memref<125x16xf32, #tpu.memory_space<vmem>>) target(%dma_start3A_54 : memref<10240x16xf32, #tpu.memory_space<vmem_shared>>) offsets(%dma_start3A_51 : memref<125xi32, #tpu.memory_space<vmem>>) semaphore(%arg8 : memref<!tpu.dma_semaphore, #tpu.memory_space<semaphore_mem>>) {add = true}
      %add3A_55 = arith.constant 3 : i32
      %add3A_56 = arith.addi %mul3A_31, %add3A_55 : i32
      %dma_start3A_57 = arith.constant 0 : i32
      %dma_start3A_58 = tpu.memref_slice %arg4[%add3A_56, %dma_start3A_57] : memref<80x125xi32, #tpu.memory_space<vmem>> -> memref<1x125xi32, #tpu.memory_space<vmem>>
      %dma_start3A_59 = tpu.memref_squeeze %dma_start3A_58 : memref<1x125xi32, #tpu.memory_space<vmem>> -> memref<125xi32, #tpu.memory_space<vmem>>
      %dma_start3A_60 = arith.constant 0 : i32
      %dma_start3A_61 = arith.constant 0 : i32
      %dma_start3A_62 = tpu.memref_slice %arg7[%dma_start3A_60, %dma_start3A_61] : memref<10240x16xf32, #tpu.memory_space<vmem_shared>> -> memref<10240x16xf32, #tpu.memory_space<vmem_shared>>
      tpu.enqueue_indirect_dma source(%arg5 : memref<125x16xf32, #tpu.memory_space<vmem>>) target(%dma_start3A_62 : memref<10240x16xf32, #tpu.memory_space<vmem_shared>>) offsets(%dma_start3A_59 : memref<125xi32, #tpu.memory_space<vmem>>) semaphore(%arg8 : memref<!tpu.dma_semaphore, #tpu.memory_space<semaphore_mem>>) {add = true}
      %add3A_63 = arith.constant 4 : i32
      %add3A_64 = arith.addi %mul3A_31, %add3A_63 : i32
      %dma_start3A_65 = arith.constant 0 : i32
      %dma_start3A_66 = tpu.memref_slice %arg4[%add3A_64, %dma_start3A_65] : memref<80x125xi32, #tpu.memory_space<vmem>> -> memref<1x125xi32, #tpu.memory_space<vmem>>
      %dma_start3A_67 = tpu.memref_squeeze %dma_start3A_66 : memref<1x125xi32, #tpu.memory_space<vmem>> -> memref<125xi32, #tpu.memory_space<vmem>>
      %dma_start3A_68 = arith.constant 0 : i32
      %dma_start3A_69 = arith.constant 0 : i32
      %dma_start3A_70 = tpu.memref_slice %arg7[%dma_start3A_68, %dma_start3A_69] : memref<10240x16xf32, #tpu.memory_space<vmem_shared>> -> memref<10240x16xf32, #tpu.memory_space<vmem_shared>>
      tpu.enqueue_indirect_dma source(%arg5 : memref<125x16xf32, #tpu.memory_space<vmem>>) target(%dma_start3A_70 : memref<10240x16xf32, #tpu.memory_space<vmem_shared>>) offsets(%dma_start3A_67 : memref<125xi32, #tpu.memory_space<vmem>>) semaphore(%arg8 : memref<!tpu.dma_semaphore, #tpu.memory_space<semaphore_mem>>) {add = true}
      %add3A_71 = arith.constant 5 : i32
      %add3A_72 = arith.addi %mul3A_31, %add3A_71 : i32
      %dma_start3A_73 = arith.constant 0 : i32
      %dma_start3A_74 = tpu.memref_slice %arg4[%add3A_72, %dma_start3A_73] : memref<80x125xi32, #tpu.memory_space<vmem>> -> memref<1x125xi32, #tpu.memory_space<vmem>>
      %dma_start3A_75 = tpu.memref_squeeze %dma_start3A_74 : memref<1x125xi32, #tpu.memory_space<vmem>> -> memref<125xi32, #tpu.memory_space<vmem>>
      %dma_start3A_76 = arith.constant 0 : i32
      %dma_start3A_77 = arith.constant 0 : i32
      %dma_start3A_78 = tpu.memref_slice %arg7[%dma_start3A_76, %dma_start3A_77] : memref<10240x16xf32, #tpu.memory_space<vmem_shared>> -> memref<10240x16xf32, #tpu.memory_space<vmem_shared>>
      tpu.enqueue_indirect_dma source(%arg5 : memref<125x16xf32, #tpu.memory_space<vmem>>) target(%dma_start3A_78 : memref<10240x16xf32, #tpu.memory_space<vmem_shared>>) offsets(%dma_start3A_75 : memref<125xi32, #tpu.memory_space<vmem>>) semaphore(%arg8 : memref<!tpu.dma_semaphore, #tpu.memory_space<semaphore_mem>>) {add = true}
      %add3A_79 = arith.constant 6 : i32
      %add3A_80 = arith.addi %mul3A_31, %add3A_79 : i32
      %dma_start3A_81 = arith.constant 0 : i32
      %dma_start3A_82 = tpu.memref_slice %arg4[%add3A_80, %dma_start3A_81] : memref<80x125xi32, #tpu.memory_space<vmem>> -> memref<1x125xi32, #tpu.memory_space<vmem>>
      %dma_start3A_83 = tpu.memref_squeeze %dma_start3A_82 : memref<1x125xi32, #tpu.memory_space<vmem>> -> memref<125xi32, #tpu.memory_space<vmem>>
      %dma_start3A_84 = arith.constant 0 : i32
      %dma_start3A_85 = arith.constant 0 : i32
      %dma_start3A_86 = tpu.memref_slice %arg7[%dma_start3A_84, %dma_start3A_85] : memref<10240x16xf32, #tpu.memory_space<vmem_shared>> -> memref<10240x16xf32, #tpu.memory_space<vmem_shared>>
      tpu.enqueue_indirect_dma source(%arg5 : memref<125x16xf32, #tpu.memory_space<vmem>>) target(%dma_start3A_86 : memref<10240x16xf32, #tpu.memory_space<vmem_shared>>) offsets(%dma_start3A_83 : memref<125xi32, #tpu.memory_space<vmem>>) semaphore(%arg8 : memref<!tpu.dma_semaphore, #tpu.memory_space<semaphore_mem>>) {add = true}
      %add3A_87 = arith.constant 7 : i32
      %add3A_88 = arith.addi %mul3A_31, %add3A_87 : i32
      %dma_start3A_89 = arith.constant 0 : i32
      %dma_start3A_90 = tpu.memref_slice %arg4[%add3A_88, %dma_start3A_89] : memref<80x125xi32, #tpu.memory_space<vmem>> -> memref<1x125xi32, #tpu.memory_space<vmem>>
      %dma_start3A_91 = tpu.memref_squeeze %dma_start3A_90 : memref<1x125xi32, #tpu.memory_space<vmem>> -> memref<125xi32, #tpu.memory_space<vmem>>
      %dma_start3A_92 = arith.constant 0 : i32
      %dma_start3A_93 = arith.constant 0 : i32
      %dma_start3A_94 = tpu.memref_slice %arg7[%dma_start3A_92, %dma_start3A_93] : memref<10240x16xf32, #tpu.memory_space<vmem_shared>> -> memref<10240x16xf32, #tpu.memory_space<vmem_shared>>
      tpu.enqueue_indirect_dma source(%arg5 : memref<125x16xf32, #tpu.memory_space<vmem>>) target(%dma_start3A_94 : memref<10240x16xf32, #tpu.memory_space<vmem_shared>>) offsets(%dma_start3A_91 : memref<125xi32, #tpu.memory_space<vmem>>) semaphore(%arg8 : memref<!tpu.dma_semaphore, #tpu.memory_space<semaphore_mem>>) {add = true}
      %add3A_95 = arith.constant 0 : i32
      %add3A_96 = arith.addi %mul3A_31, %add3A_95 : i32
      %dma_wait3A = arith.constant 0 : i32
      %dma_wait3A_97 = tpu.memref_slice %arg4[%add3A_96, %dma_wait3A] : memref<80x125xi32, #tpu.memory_space<vmem>> -> memref<1x125xi32, #tpu.memory_space<vmem>>
      %dma_wait3A_98 = tpu.memref_squeeze %dma_wait3A_97 : memref<1x125xi32, #tpu.memory_space<vmem>> -> memref<125xi32, #tpu.memory_space<vmem>>
      %dma_wait3A_99 = arith.constant 0 : i32
      %dma_wait3A_100 = arith.constant 0 : i32
      %dma_wait3A_101 = tpu.memref_slice %arg7[%dma_wait3A_99, %dma_wait3A_100] : memref<10240x16xf32, #tpu.memory_space<vmem_shared>> -> memref<10240x16xf32, #tpu.memory_space<vmem_shared>>
      tpu.wait_indirect_dma semaphore(%arg8 : memref<!tpu.dma_semaphore, #tpu.memory_space<semaphore_mem>>) src(%arg5 : memref<125x16xf32, #tpu.memory_space<vmem>>) dst(%dma_wait3A_101 : memref<10240x16xf32, #tpu.memory_space<vmem_shared>>)
      %add3A_102 = arith.constant 1 : i32
      %add3A_103 = arith.addi %mul3A_31, %add3A_102 : i32
      %dma_wait3A_104 = arith.constant 0 : i32
      %dma_wait3A_105 = tpu.memref_slice %arg4[%add3A_103, %dma_wait3A_104] : memref<80x125xi32, #tpu.memory_space<vmem>> -> memref<1x125xi32, #tpu.memory_space<vmem>>
      %dma_wait3A_106 = tpu.memref_squeeze %dma_wait3A_105 : memref<1x125xi32, #tpu.memory_space<vmem>> -> memref<125xi32, #tpu.memory_space<vmem>>
      %dma_wait3A_107 = arith.constant 0 : i32
      %dma_wait3A_108 = arith.constant 0 : i32
      %dma_wait3A_109 = tpu.memref_slice %arg7[%dma_wait3A_107, %dma_wait3A_108] : memref<10240x16xf32, #tpu.memory_space<vmem_shared>> -> memref<10240x16xf32, #tpu.memory_space<vmem_shared>>
      tpu.wait_indirect_dma semaphore(%arg8 : memref<!tpu.dma_semaphore, #tpu.memory_space<semaphore_mem>>) src(%arg5 : memref<125x16xf32, #tpu.memory_space<vmem>>) dst(%dma_wait3A_109 : memref<10240x16xf32, #tpu.memory_space<vmem_shared>>)
      %add3A_110 = arith.constant 2 : i32
      %add3A_111 = arith.addi %mul3A_31, %add3A_110 : i32
      %dma_wait3A_112 = arith.constant 0 : i32
      %dma_wait3A_113 = tpu.memref_slice %arg4[%add3A_111, %dma_wait3A_112] : memref<80x125xi32, #tpu.memory_space<vmem>> -> memref<1x125xi32, #tpu.memory_space<vmem>>
      %dma_wait3A_114 = tpu.memref_squeeze %dma_wait3A_113 : memref<1x125xi32, #tpu.memory_space<vmem>> -> memref<125xi32, #tpu.memory_space<vmem>>
      %dma_wait3A_115 = arith.constant 0 : i32
      %dma_wait3A_116 = arith.constant 0 : i32
      %dma_wait3A_117 = tpu.memref_slice %arg7[%dma_wait3A_115, %dma_wait3A_116] : memref<10240x16xf32, #tpu.memory_space<vmem_shared>> -> memref<10240x16xf32, #tpu.memory_space<vmem_shared>>
      tpu.wait_indirect_dma semaphore(%arg8 : memref<!tpu.dma_semaphore, #tpu.memory_space<semaphore_mem>>) src(%arg5 : memref<125x16xf32, #tpu.memory_space<vmem>>) dst(%dma_wait3A_117 : memref<10240x16xf32, #tpu.memory_space<vmem_shared>>)
      %add3A_118 = arith.constant 3 : i32
      %add3A_119 = arith.addi %mul3A_31, %add3A_118 : i32
      %dma_wait3A_120 = arith.constant 0 : i32
      %dma_wait3A_121 = tpu.memref_slice %arg4[%add3A_119, %dma_wait3A_120] : memref<80x125xi32, #tpu.memory_space<vmem>> -> memref<1x125xi32, #tpu.memory_space<vmem>>
      %dma_wait3A_122 = tpu.memref_squeeze %dma_wait3A_121 : memref<1x125xi32, #tpu.memory_space<vmem>> -> memref<125xi32, #tpu.memory_space<vmem>>
      %dma_wait3A_123 = arith.constant 0 : i32
      %dma_wait3A_124 = arith.constant 0 : i32
      %dma_wait3A_125 = tpu.memref_slice %arg7[%dma_wait3A_123, %dma_wait3A_124] : memref<10240x16xf32, #tpu.memory_space<vmem_shared>> -> memref<10240x16xf32, #tpu.memory_space<vmem_shared>>
      tpu.wait_indirect_dma semaphore(%arg8 : memref<!tpu.dma_semaphore, #tpu.memory_space<semaphore_mem>>) src(%arg5 : memref<125x16xf32, #tpu.memory_space<vmem>>) dst(%dma_wait3A_125 : memref<10240x16xf32, #tpu.memory_space<vmem_shared>>)
      %add3A_126 = arith.constant 4 : i32
      %add3A_127 = arith.addi %mul3A_31, %add3A_126 : i32
      %dma_wait3A_128 = arith.constant 0 : i32
      %dma_wait3A_129 = tpu.memref_slice %arg4[%add3A_127, %dma_wait3A_128] : memref<80x125xi32, #tpu.memory_space<vmem>> -> memref<1x125xi32, #tpu.memory_space<vmem>>
      %dma_wait3A_130 = tpu.memref_squeeze %dma_wait3A_129 : memref<1x125xi32, #tpu.memory_space<vmem>> -> memref<125xi32, #tpu.memory_space<vmem>>
      %dma_wait3A_131 = arith.constant 0 : i32
      %dma_wait3A_132 = arith.constant 0 : i32
      %dma_wait3A_133 = tpu.memref_slice %arg7[%dma_wait3A_131, %dma_wait3A_132] : memref<10240x16xf32, #tpu.memory_space<vmem_shared>> -> memref<10240x16xf32, #tpu.memory_space<vmem_shared>>
      tpu.wait_indirect_dma semaphore(%arg8 : memref<!tpu.dma_semaphore, #tpu.memory_space<semaphore_mem>>) src(%arg5 : memref<125x16xf32, #tpu.memory_space<vmem>>) dst(%dma_wait3A_133 : memref<10240x16xf32, #tpu.memory_space<vmem_shared>>)
      %add3A_134 = arith.constant 5 : i32
      %add3A_135 = arith.addi %mul3A_31, %add3A_134 : i32
      %dma_wait3A_136 = arith.constant 0 : i32
      %dma_wait3A_137 = tpu.memref_slice %arg4[%add3A_135, %dma_wait3A_136] : memref<80x125xi32, #tpu.memory_space<vmem>> -> memref<1x125xi32, #tpu.memory_space<vmem>>
      %dma_wait3A_138 = tpu.memref_squeeze %dma_wait3A_137 : memref<1x125xi32, #tpu.memory_space<vmem>> -> memref<125xi32, #tpu.memory_space<vmem>>
      %dma_wait3A_139 = arith.constant 0 : i32
      %dma_wait3A_140 = arith.constant 0 : i32
      %dma_wait3A_141 = tpu.memref_slice %arg7[%dma_wait3A_139, %dma_wait3A_140] : memref<10240x16xf32, #tpu.memory_space<vmem_shared>> -> memref<10240x16xf32, #tpu.memory_space<vmem_shared>>
      tpu.wait_indirect_dma semaphore(%arg8 : memref<!tpu.dma_semaphore, #tpu.memory_space<semaphore_mem>>) src(%arg5 : memref<125x16xf32, #tpu.memory_space<vmem>>) dst(%dma_wait3A_141 : memref<10240x16xf32, #tpu.memory_space<vmem_shared>>)
      %add3A_142 = arith.constant 6 : i32
      %add3A_143 = arith.addi %mul3A_31, %add3A_142 : i32
      %dma_wait3A_144 = arith.constant 0 : i32
      %dma_wait3A_145 = tpu.memref_slice %arg4[%add3A_143, %dma_wait3A_144] : memref<80x125xi32, #tpu.memory_space<vmem>> -> memref<1x125xi32, #tpu.memory_space<vmem>>
      %dma_wait3A_146 = tpu.memref_squeeze %dma_wait3A_145 : memref<1x125xi32, #tpu.memory_space<vmem>> -> memref<125xi32, #tpu.memory_space<vmem>>
      %dma_wait3A_147 = arith.constant 0 : i32
      %dma_wait3A_148 = arith.constant 0 : i32
      %dma_wait3A_149 = tpu.memref_slice %arg7[%dma_wait3A_147, %dma_wait3A_148] : memref<10240x16xf32, #tpu.memory_space<vmem_shared>> -> memref<10240x16xf32, #tpu.memory_space<vmem_shared>>
      tpu.wait_indirect_dma semaphore(%arg8 : memref<!tpu.dma_semaphore, #tpu.memory_space<semaphore_mem>>) src(%arg5 : memref<125x16xf32, #tpu.memory_space<vmem>>) dst(%dma_wait3A_149 : memref<10240x16xf32, #tpu.memory_space<vmem_shared>>)
      %add3A_150 = arith.constant 7 : i32
      %add3A_151 = arith.addi %mul3A_31, %add3A_150 : i32
      %dma_wait3A_152 = arith.constant 0 : i32
      %dma_wait3A_153 = tpu.memref_slice %arg4[%add3A_151, %dma_wait3A_152] : memref<80x125xi32, #tpu.memory_space<vmem>> -> memref<1x125xi32, #tpu.memory_space<vmem>>
      %dma_wait3A_154 = tpu.memref_squeeze %dma_wait3A_153 : memref<1x125xi32, #tpu.memory_space<vmem>> -> memref<125xi32, #tpu.memory_space<vmem>>
      %dma_wait3A_155 = arith.constant 0 : i32
      %dma_wait3A_156 = arith.constant 0 : i32
      %dma_wait3A_157 = tpu.memref_slice %arg7[%dma_wait3A_155, %dma_wait3A_156] : memref<10240x16xf32, #tpu.memory_space<vmem_shared>> -> memref<10240x16xf32, #tpu.memory_space<vmem_shared>>
      tpu.wait_indirect_dma semaphore(%arg8 : memref<!tpu.dma_semaphore, #tpu.memory_space<semaphore_mem>>) src(%arg5 : memref<125x16xf32, #tpu.memory_space<vmem>>) dst(%dma_wait3A_157 : memref<10240x16xf32, #tpu.memory_space<vmem_shared>>)
      %scan3A_158 = arith.constant 0 : i32
      scf.yield %scan3A_158 : i32
    }
    %scan3A_22 = arith.constant 10 : i32
    %barrier3A_23 = arith.constant 0 : index
    tpu.barrier barrier_id(%barrier3A_23)
    %mul3A_24 = arith.constant 640 : i32
    %mul3A_25 = arith.muli %arg1, %mul3A_24 : i32
    "tpu.region"() ({
      %run_scoped3A = tpu.sem_alloc : memref<!tpu.dma_semaphore, #tpu.memory_space<semaphore_mem>>
      %dma_start3A = arith.constant 0 : i32
      %dma_start3A_28 = tpu.memref_slice %arg7[%mul3A_25, %dma_start3A] : memref<10240x16xf32, #tpu.memory_space<vmem_shared>> -> memref<640x16xf32, #tpu.memory_space<vmem_shared>>
      %dma_start3A_29 = arith.constant 0 : i32
      %dma_start3A_30 = tpu.memref_slice %arg7[%mul3A_25, %dma_start3A_29] : memref<10240x16xf32, #tpu.memory_space<vmem_shared>> -> memref<640x16xf32, #tpu.memory_space<vmem_shared>>
      tpu.enqueue_dma source(%dma_start3A_30 : memref<640x16xf32, #tpu.memory_space<vmem_shared>>) target(%arg6 : memref<640x16xf32, #tpu.memory_space<vmem>>) target_semaphore(%run_scoped3A : memref<!tpu.dma_semaphore, #tpu.memory_space<semaphore_mem>>)
      %dma_wait3A = arith.constant 0 : i32
      %dma_wait3A_31 = tpu.memref_slice %arg7[%mul3A_25, %dma_wait3A] : memref<10240x16xf32, #tpu.memory_space<vmem_shared>> -> memref<640x16xf32, #tpu.memory_space<vmem_shared>>
      %dma_wait3A_32 = arith.constant 0 : i32
      %dma_wait3A_33 = tpu.memref_slice %arg7[%mul3A_25, %dma_wait3A_32] : memref<10240x16xf32, #tpu.memory_space<vmem_shared>> -> memref<640x16xf32, #tpu.memory_space<vmem_shared>>
      tpu.wait_dma2 semaphore(%run_scoped3A : memref<!tpu.dma_semaphore, #tpu.memory_space<semaphore_mem>>) src(%dma_wait3A_33 : memref<640x16xf32, #tpu.memory_space<vmem_shared>>) dst(%arg6 : memref<640x16xf32, #tpu.memory_space<vmem>>)
      tpu.yield
    }) : () -> ()
    %mul3A_26 = arith.constant 640 : i32
    %mul3A_27 = arith.muli %arg1, %mul3A_26 : i32
    "tpu.region"() ({
      %run_scoped3A = tpu.sem_alloc : memref<!tpu.dma_semaphore, #tpu.memory_space<semaphore_mem>>
      %dma_start3A = arith.constant 0 : i32
      %dma_start3A_28 = arith.constant 0 : i32
      %dma_start3A_29 = tpu.memref_slice %arg3[%arg0, %dma_start3A, %dma_start3A_28] : memref<2x10240x16xf32, #tpu.memory_space<hbm>> -> memref<1x10240x16xf32, #tpu.memory_space<hbm>>
      %dma_start3A_30 = tpu.memref_squeeze %dma_start3A_29 : memref<1x10240x16xf32, #tpu.memory_space<hbm>> -> memref<10240x16xf32, #tpu.memory_space<hbm>>
      %dma_start3A_31 = arith.constant 0 : i32
      %dma_start3A_32 = tpu.memref_slice %dma_start3A_30[%mul3A_27, %dma_start3A_31] : memref<10240x16xf32, #tpu.memory_space<hbm>> -> memref<640x16xf32, #tpu.memory_space<hbm>>
      %dma_start3A_33 = arith.constant 0 : i32
      %dma_start3A_34 = arith.constant 0 : i32
      %dma_start3A_35 = tpu.memref_slice %arg3[%arg0, %dma_start3A_33, %dma_start3A_34] : memref<2x10240x16xf32, #tpu.memory_space<hbm>> -> memref<1x10240x16xf32, #tpu.memory_space<hbm>>
      %dma_start3A_36 = tpu.memref_squeeze %dma_start3A_35 : memref<1x10240x16xf32, #tpu.memory_space<hbm>> -> memref<10240x16xf32, #tpu.memory_space<hbm>>
      %dma_start3A_37 = arith.constant 0 : i32
      %dma_start3A_38 = tpu.memref_slice %dma_start3A_36[%mul3A_27, %dma_start3A_37] : memref<10240x16xf32, #tpu.memory_space<hbm>> -> memref<640x16xf32, #tpu.memory_space<hbm>>
      tpu.enqueue_dma source(%arg6 : memref<640x16xf32, #tpu.memory_space<vmem>>) target(%dma_start3A_38 : memref<640x16xf32, #tpu.memory_space<hbm>>) target_semaphore(%run_scoped3A : memref<!tpu.dma_semaphore, #tpu.memory_space<semaphore_mem>>)
      %dma_wait3A = arith.constant 0 : i32
      %dma_wait3A_39 = arith.constant 0 : i32
      %dma_wait3A_40 = tpu.memref_slice %arg3[%arg0, %dma_wait3A, %dma_wait3A_39] : memref<2x10240x16xf32, #tpu.memory_space<hbm>> -> memref<1x10240x16xf32, #tpu.memory_space<hbm>>
      %dma_wait3A_41 = tpu.memref_squeeze %dma_wait3A_40 : memref<1x10240x16xf32, #tpu.memory_space<hbm>> -> memref<10240x16xf32, #tpu.memory_space<hbm>>
      %dma_wait3A_42 = arith.constant 0 : i32
      %dma_wait3A_43 = tpu.memref_slice %dma_wait3A_41[%mul3A_27, %dma_wait3A_42] : memref<10240x16xf32, #tpu.memory_space<hbm>> -> memref<640x16xf32, #tpu.memory_space<hbm>>
      %dma_wait3A_44 = arith.constant 0 : i32
      %dma_wait3A_45 = arith.constant 0 : i32
      %dma_wait3A_46 = tpu.memref_slice %arg3[%arg0, %dma_wait3A_44, %dma_wait3A_45] : memref<2x10240x16xf32, #tpu.memory_space<hbm>> -> memref<1x10240x16xf32, #tpu.memory_space<hbm>>
      %dma_wait3A_47 = tpu.memref_squeeze %dma_wait3A_46 : memref<1x10240x16xf32, #tpu.memory_space<hbm>> -> memref<10240x16xf32, #tpu.memory_space<hbm>>
      %dma_wait3A_48 = arith.constant 0 : i32
      %dma_wait3A_49 = tpu.memref_slice %dma_wait3A_47[%mul3A_27, %dma_wait3A_48] : memref<10240x16xf32, #tpu.memory_space<hbm>> -> memref<640x16xf32, #tpu.memory_space<hbm>>
      tpu.wait_dma2 semaphore(%run_scoped3A : memref<!tpu.dma_semaphore, #tpu.memory_space<semaphore_mem>>) src(%arg6 : memref<640x16xf32, #tpu.memory_space<vmem>>) dst(%dma_wait3A_49 : memref<640x16xf32, #tpu.memory_space<hbm>>)
      tpu.yield
    }) : () -> ()
    return
  }
}

</mosaic_0001>

<sc_bundles>
// kernel: _degree.3.cloned.1.call-start
scs
__scs_entry_jumppad:
0x0: {  	(pc) =	sbr.rel $0x88, $3  }
0x1: {  	(tag) =	ssettag $0x0;
	lr =	simm.s32 $0x1  }
0x2: {  	[smem:$0x3FA0] =	sst lr;
	_ =	strace $0xD0000000  }
0x3: {  	_ = 	snop  }
0x4: {  	_ = 	snop  }
0x5: {  	_ = 	snop  }
0x6: {  	_ = 	snop  }
0x7: {  	_ = 	snop  }
__scs_overlays_trampoline_lowered:
0x8: {  	[smem:$0x3FAF] =	sst s0  }
0x9: {  	[smem:$0x3FB0] =	sst s1  }
0xa: {  	[smem:$0x3FB1] =	sst s2  }
0xb: {  	[smem:$0x3FB2] =	sst s3  }
0xc: {  	[smem:$0x3FB3] =	sst s4  }
0xd: {  	[smem:$0x3FB4] =	sst s5  }
0xe: {  	[smem:$0x3FB5] =	sst s6  }
0xf: {  	[smem:$0x3FB6] =	sst s7  }
0x10: {  	[smem:$0x3FB7] =	sst s8  }
0x11: {  	[smem:$0x3FB8] =	sst s9;
	s0 =	simm.s32 @!p0 $0x0  }
0x12: {  	s1 =	sld [smem:$0x3F9E];
	s0 =	simm.s32 @p0 $0x1  }
0x13: {  	[smem:$0x3FB9] =	sst s0;
	s0 =	simm.s32 @!p1 $0x0  }
0x14: {  	s2 =	sld [smem:$0x3F9D];
	s0 =	simm.s32 @p1 $0x1  }
0x15: {  	[smem:$0x3FBA] =	sst s0;
	s0 =	simm.s32 @!p2 $0x0  }
0x16: {  	s3 =	sld [smem:$0x3FDB];
	s0 =	simm.s32 @p2 $0x1  }
0x17: {  	s4 =	simm.s32 $0x1BF5;
	[smem:$0x3FBC] =	sst s0  }
0x18: {  	s0 =	sld [smem:$0x3F9F];
	_ =	swait.ge [sflag:s4], $0x0  }
0x19: {  	s7 =	sld [smem:$0x3FA0]  }
0x1a: {  	s8 =	sadd.s32 $0xFFFFE003, lr  }
0x1b: {  	s9 =	sadd.s32 $0xFFFFFEF7, lr;
	s5 =	simm.s32 $0xFFFFFFFF;
	p2 =	slt.u32 s8, $0xFFFFF086  }
0x1c: {  	p1 =	slt.u32 s9, $0xF7A;
	s5 =	simm.s32 @!p2 $0x0  }
0x1d: {  	s5 =	simm.s32 @p1 $0x1;
	p0 =	seq.s32 s7, s2  }
0x1e: {  	s7 =	smul.u32 @!p0 $0xF7A, s2;
	p2 =	seq.s32 @!p0 s5, $0x0  }
0x1f: {  	s9 =	smul.u32 $0xF7A, s1;
	s8 =	simm.s32 @!p0 $0x1BF5;
	p2 =	por !p2, p0  }
0x20: {  	[sflag:s8] =	ssyncset.s32 @!p0 $0xFFFFF086;
	s6 =	sadd.s32 @!p0 s3, s7;
	s7 =	simm.s32 @!p0 $0x108  }
0x21: {  	s3 =	sadd.s32 s3, s9;
	s6 =	sadd.s32 @!p0 $0x88, s6;
	s7 =	simm.s32 @p2 $0x1082  }
0x22: {  	[simem:s7], [sflag:s8] =	dma.local @!p0 [hbm:s6], $0xF7A  }
0x23: {  	s9 =	sor.u32 $0xD0000000, s2;
	s6 =	simm.s32 $0x108;
	_ =	swait.ge @!p0 [sflag:s8], $0x0  }
0x24: {  	s3 =	sadd.s32 $0x88, s3;
	s6 =	simm.s32 @!p1 $0x1082;
	[sflag:s4] =	ssyncset.s32 $0xFFFFF086  }
0x25: {  	[simem:s6], [sflag:s4] =	dma.local [hbm:s3], $0xF7A  }
0x26: {  	[smem:$0x3FA0] =	sst s1;
	(tag) =	ssettag s2;
	_ =	strace s9  }
0x27: {  	s1 =	sld [smem:$0x3FB0]  }
0x28: {  	s2 =	sld [smem:$0x3FB1]  }
0x29: {  	s4 =	sld [smem:$0x3FB3]  }
0x2a: {  	p0 =	seq.s32 s5, $0x0;
	s5 =	sld [smem:$0x3FB4]  }
0x2b: {  	s6 =	sld [smem:$0x3FB5]  }
0x2c: {  	s7 =	sld [smem:$0x3FB6]  }
0x2d: {  	s3 =	simm.s32 $0x108;
	s8 =	sld [smem:$0x3FB7]  }
0x2e: {  	s3 =	simm.s32 @!p0 $0x1082;
	s9 =	sld [smem:$0x3FB8]  }
0x2f: {  	lr =	sadd.s32 s0, s3;
	s0 =	sld [smem:$0x3FAF]  }
0x30: {  	s3 =	sld [smem:$0x3FB2]  }
0x31: {  	[smem:$0x3FBB] =	sst s10  }
0x32: {  	s10 =	sld [smem:$0x3FB9];
	_ =	sdelay $0x3  }
0x33: {  	p0 =	seq.s32 s10, $0x1;
	s10 =	sld [smem:$0x3FBB];
	_ =	sdelay $0x3  }
0x34: {  	[smem:$0x3FBB] =	sst s10  }
0x35: {  	s10 =	sld [smem:$0x3FBA];
	_ =	sdelay $0x3  }
0x36: {  	p1 =	seq.s32 s10, $0x1;
	s10 =	sld [smem:$0x3FBB];
	_ =	sdelay $0x3  }
0x37: {  	[smem:$0x3FBB] =	sst s10  }
0x38: {  	s10 =	sld [smem:$0x3FBC]  }
0x39: {  	_ = 	snop;
	(pc) =	sbr.ind lr, $3  }
0x3a: {  	_ = 	snop  }
0x3b: {  	_ = 	snop  }
0x3c: {  	p2 =	seq.s32 s10, $0x1;
	s10 =	sld [smem:$0x3FBB]  }
0x3d: {  	_ =	shalt  }
0x3e: {  	_ =	shalt  }
0x3f: {  	_ =	shalt  }
0x40: {  	_ =	shalt  }
0x41: {  	_ =	shalt  }
0x42: {  	_ =	shalt  }
0x43: {  	_ =	shalt  }
0x44: {  	_ =	shalt  }
0x45: {  	_ =	shalt  }
0x46: {  	_ =	shalt  }
0x47: {  	_ =	shalt  }
0x48: {  	_ =	shalt  }
0x49: {  	_ =	shalt  }
0x4a: {  	_ =	shalt  }
0x4b: {  	_ =	shalt  }
0x4c: {  	_ =	shalt  }
0x4d: {  	_ =	shalt  }
0x4e: {  	_ =	shalt  }
0x4f: {  	_ =	shalt  }
0x50: {  	_ =	shalt  }
0x51: {  	_ =	shalt  }
0x52: {  	_ =	shalt  }
0x53: {  	_ =	shalt  }
0x54: {  	_ =	shalt  }
0x55: {  	_ =	shalt  }
0x56: {  	_ =	shalt  }
0x57: {  	_ =	shalt  }
0x58: {  	_ =	shalt  }
0x59: {  	_ =	shalt  }
0x5a: {  	_ =	shalt  }
0x5b: {  	_ =	shalt  }
0x5c: {  	_ =	shalt  }
0x5d: {  	_ =	shalt  }
0x5e: {  	_ =	shalt  }
0x5f: {  	_ =	shalt  }
0x60: {  	_ =	shalt  }
0x61: {  	_ =	shalt  }
0x62: {  	_ =	shalt  }
0x63: {  	_ =	shalt  }
0x64: {  	_ =	shalt  }
0x65: {  	_ =	shalt  }
0x66: {  	_ =	shalt  }
0x67: {  	_ =	shalt  }
0x68: {  	_ =	shalt  }
0x69: {  	_ =	shalt  }
0x6a: {  	_ =	shalt  }
0x6b: {  	_ =	shalt  }
0x6c: {  	_ =	shalt  }
0x6d: {  	_ =	shalt  }
0x6e: {  	_ =	shalt  }
0x6f: {  	_ =	shalt  }
0x70: {  	_ =	shalt  }
0x71: {  	_ =	shalt  }
0x72: {  	_ =	shalt  }
0x73: {  	_ =	shalt  }
0x74: {  	_ =	shalt  }
0x75: {  	_ =	shalt  }
0x76: {  	_ =	shalt  }
0x77: {  	_ =	shalt  }
0x78: {  	_ =	shalt  }
0x79: {  	_ =	shalt  }
0x7a: {  	_ =	shalt  }
0x7b: {  	_ =	shalt  }
0x7c: {  	_ =	shalt  }
0x7d: {  	_ =	shalt  }
0x7e: {  	_ =	shalt  }
0x7f: {  	_ =	shalt  }
0x80: {  	_ =	shalt  }
0x81: {  	_ =	shalt  }
0x82: {  	_ =	shalt  }
0x83: {  	_ =	shalt  }
0x84: {  	_ =	shalt  }
0x85: {  	_ =	shalt  }
0x86: {  	_ =	shalt  }
0x87: {  	_ =	shalt  }
.Lfunc_end0:
.L_simem_size_0:
called_computation_lowered:
.L_overlay_start_0:
0x88: {  	s2 =	sld [smem:$0x3FD9]  }
0x89: {  	s3 =	sld [smem:$0x3FFE];
	_ =	sdelay $0x1  }
0x8a: {  	s1 =	srdreg.scid  }
0x8b: {  	s0 =	sand.u32 $0x1, s1  }
0x8c: {  	s17 =	sshll.u32 s0, $0xA;
	s2 =	sadd.s32 s3, s2  }
0x8d: {  	s2 =	sadd.s32 s2, s17  }
0x8e: {  	[smem:$0x3FC7] =	sst s2  }
0x8f: {  	_ = 	snop  }
0x90: {  	s2 =	sld [smem:$0x3FD0];
	(tm) =	ssettm $0x1  }
0x91: {  	s18 =	sld [smem:$0x3FFB];
	_ =	sdelay $0x3  }
0x92: {  	_ =	strace s18  }
0x93: {  	s3 =	sld [smem:$0x3FFC];
	_ =	sdelay $0x3  }
0x94: {  	_ =	strace s3  }
0x95: {  	s3 =	sld [smem:$0x3FFD];
	_ =	sdelay $0x3  }
0x96: {  	_ =	strace s3  }
0x97: {  	_ =	strace $0x8FFFFFFF  }
0x98: {  	s19 =	sld [smem:$0x3FDB];
	_ =	sdelay $0x1  }
0x99: {  	s4 =	simm.s32 $_scs_section_size  }
0x9a: {  	s5 =	simm.s32 $_size__tile_overlayer_lowered;
	s6 =	simm.s32 $_tile_overlayer_lowered  }
0x9b: {  	s22 =	simm.s32 $0x1BFF;
	s21 =	sshll.u32 s6, $0x1;
	s3 =	sadd.s32 s4, s19  }
0x9c: {  	s7 =	simm.s32 $0x0;
	s20 =	sshll.u32 s5, $0x1;
	s5 =	sadd.s32 s21, s3  }
0x9d: {  	[timem:s7], [sflag:s22] =	dma.local [hbm:s5], s20  }
0x9e: {  	_ =	swait.ge [sflag:s22], s20  }
0x9f: {  	s4 =	ssub.s32 $0x0, s20;
	[sflag:s22] =	ssyncset.done $0x0  }
0xa0: {  	[sflag:s22] =	ssyncadd.s32 s4;
	_ =	sdelay $0x1  }
0xa1: {  	s23 =	simm.s32 $0x1B8B  }
0xa2: {  	_ =	swait.ge [sflag:s23], $0x1  }
0xa3: {  	[sflag:s23] =	ssyncset.done $0x0  }
0xa4: {  	s25 =	simm.s32 $0x1B8E;
	s24 =	sld [smem:$0x3FFE];
	[sflag:s23] =	ssyncadd.s32 $0xFFFFFFFF  }
0xa5: {  	s26 =	simm.s32 $execute0_lowered;
	[smem:$0x3FD2] =	sst s25  }
0xa6: {  	s5 =	sshll.u32 s26, $0x1;
	_ =	strace $0x80000046;
	[dreg:$0x1] =	wrdreg $0xFFFFFFFF  }
0xa7: {  	s28 =	simm.s32 $_size_execute0_lowered;
	s3 =	sadd.s32 s3, s5;
	[dreg:$0x0] =	wrdreg $0x0  }
0xa8: {  	s5 =	sshll.u32 s28, $0x1;
	[dreg:$0x2] =	wrdreg s3  }
0xa9: {  	[dreg:$0x3] =	wrdreg s5  }
0xaa: {  	[dreg:$0x4] =	wrdreg $0xC0  }
0xab: {  	_ =	task [dreg:s7], $0x5FFFF  }
0xac: {  	[dreg:$0x1] =	wrdreg $0xFFFFFFFF  }
0xad: {  	[dreg:$0x0] =	wrdreg $0x60  }
0xae: {  	[dreg:$0x2] =	wrdreg s2  }
0xaf: {  	[dreg:$0x3] =	wrdreg s24  }
0xb0: {  	[dreg:$0x4] =	wrdreg $0x57D00  }
0xb1: {  	[dreg:$0x5] =	wrdreg $0x9  }
0xb2: {  	_ =	task.clear_ibuf [dreg:s7], $0x6FFFF;
	_ =	strace $0x90000046  }
0xb3: {  	s29 =	simm.s32 $0x9;
	_ =	strace $0x80000048  }
0xb4: {  	_ =	swait.ge [sflag:s29], $0x1  }
0xb5: {  	[sflag:s29] =	ssyncadd.s32 $0xFFFFFFFF  }
0xb6: {  	_ =	strace $0x90000048  }
0xb7: {  	_ =	sfence  }
0xb8: {  	s30 =	sld [smem:$0x0];
	_ =	sdelay $0x2  }
0xb9: {  	s31 =	sshll.u32 s1, $0xD;
	s1 =	sshrl.u32 s1, $0x2  }
0xba: {  	s3 =	sand.u32 $0x4000, s31;
	s1 =	sadd.s32 s1, s30  }
0xbb: {  	s0 =	sor.u32 s3, s0;
	s1 =	sshll.u32 s1, $0x11  }
0xbc: {  	s0 =	sor.u32 s1, s0  }
0xbd: {  	s0 =	sadd.s32 $0x8F2B, s0  }
0xbe: {  	[sflag:s0] =	ssyncadd.remote.s32 $0x1  }
0xbf: {  	_ =	sfence.sel $0xFFFF  }
0xc0: {  	[dreg:$0x0] =	wrdreg $0xFFFFFFFF;
	(pc) =	sbr.abs _section_cstart, $3  }
0xc1: {  	[dreg:$0x1] =	wrdreg $0xFFFFFFFF  }
0xc2: {  	_ =	task.clear_ibuf [dreg:s7], $0x2FFFF;
	_ =	strace $0x9FFFFFFF  }
0xc3: {  	(tm) =	ssettm $0x7FFFFFFF  }
tec
execute0_lowered:
.L_overlay_start_1:
0x0: {  	(tag) =	ssettag $0x1  }
0x1: {  	s5 =	rddreg [dreg:$0x0]  }
0x2: {  	s4 =	rddreg [dreg:$0x1]  }
0x3: {  	s1 =	rddreg [dreg:$0x2];
	s2 =	srdreg.scid  }
0x4: {  	s0 =	rddreg [dreg:$0x3];
	s3 =	simm.s32 $0x0;
	s11 =	simm.s32 $0x1  }
0x5: {  	s6 =	sand.u32 $0x1, s2;
	s2 =	stileid.u32;
	[smem:$0x7FF] =	sst s3  }
0x6: {  	s7 =	smul.u32 $0x5000, s6;
	s8 =	sshll.u32 s6, $0x4;
	s6 =	ssub.s32 $0x2, s6  }
0x7: {  	s9 =	smul.u32 $0x2800, s2;
	_ =	strace $0x80000047;
	s8 =	sor.u32 s2, s8  }
0x8: {  	s10 =	sshrl.u32 s6, $0x1;
	s8 =	smul.u32 $0x500, s8;
	s7 =	sadd.s32 s7, s4  }
0x9: {  	s6 =	ssub.s32 s6, s10;
	s4 =	sadd.s32 s9, s1;
	s13 =	sshrl.u32 s9, $0x3  }
0xa: {  	s9 =	simm.s32 $0x7D;
	s10 =	simm.s32 $0x2800;
	s12 =	sadd.s32 $0x400, s7  }
0xb: {  	s6 =	smax.u32 s6, $0x1;
	s7 =	simm.s32 $0x2FD0;
	s5 =	sadd.s32 s5, s8  }
0xc: {  	v0 =	vimm.f32 $0.0e+00;
	v1 =	vimm.f32 $1.000000000e+00;
	s8 =	simm.s32 $0x2;
	s12 =	sadd.s32 s13, s12;
	s13 =	simm.s32 $0x0  }
.LBB2_1:
0xd: {  	s14 =	simm.s32 $0x40;
	s15 =	simm.s32 $0x0  }
.LBB2_2:
0xe: {  	p0 =	sne.s32 s14, $0x9FC0;
	[tilespmem:s15+$0x2FD0] =	vst v0;
	s15 =	smov.u32 s14;
	s14 =	sadd.s32 $0x40, s14  }
.Ltmp0:
0xf: {  	(pc) =	sbr.rel @p0 .LBB2_2-.Ltmp0, $2  }
0x10: {  	_ =	sdelay $0x2  }
0x11: {  	s15 =	sshra.s32 s15, $0x2  }
0x12: {  	[tilespmem:s15+$0x2FD0] =	vst v0  }
0x13: {  	[spmem:s4] =	stream.linear.scatter [tilespmem:s7], [sflag:$0x2], $0x2800, $0x38;
	[tilespmem:$0x7FD0] =	vst v63  }
0x14: {  	_ =	swait.ge [sflag:s8], $0x2800  }
0x15: {  	[sflag:s8] =	ssyncset.done $0x0  }
0x16: {  	s14 =	simm.s32 $0x40;
	s15 =	simm.s32 $0x0;
	[sflag:s8] =	ssyncadd.s32 $0xFFFFD800  }
.LBB2_4:
0x17: {  	p0 =	sne.s32 s14, $0x1F00;
	[tilespmem:s15+$0x2800] =	vst v1;
	s15 =	smov.u32 s14;
	s14 =	sadd.s32 $0x40, s14  }
.Ltmp1:
0x18: {  	(pc) =	sbr.rel @p0 .LBB2_4-.Ltmp1, $2  }
0x19: {  	_ =	sdelay $0x2  }
0x1a: {  	s15 =	sshra.s32 s15, $0x2  }
0x1b: {  	[tilespmem:s15+$0x2800] =	vst v1;
	s14 =	simm.s32 $0x0  }
0x1c: {  	[tilespmem:s14], [sflag:$0x2] =	stream.linear.gather [hbm4b:s5+s14], $0x2800, $0x38;
	[tilespmem:$0x7FD0] =	vst v63  }
0x1d: {  	_ =	swait.ge [sflag:s8], $0x2800  }
0x1e: {  	[sflag:s8] =	ssyncset.done $0x0  }
0x1f: {  	[sflag:s8] =	ssyncadd.s32 $0xFFFFD800  }
0x20: {  	s23 =	simm.s32 $0x0;
	[bflag:$0x0] =	sbarrier.arrive $0xFFFF  }
0x21: {  	[spmem:s1] =	stream.indirect.scatter.add.f32 [tilespmem:s10], [sflag:$0x1], $0x10, s23, s9, $0xb8;
	[tilespmem:$0x7FD0] =	vst v63  }
0x22: {  	s24 =	simm.s32 $0x80  }
0x23: {  	[spmem:s1] =	stream.indirect.scatter.add.f32 [tilespmem:s10], [sflag:$0x1], $0x10, s24, s9, $0xb8;
	[tilespmem:$0x7FD0] =	vst v63  }
0x24: {  	s25 =	simm.s32 $0x100  }
0x25: {  	[spmem:s1] =	stream.indirect.scatter.add.f32 [tilespmem:s10], [sflag:$0x1], $0x10, s25, s9, $0xb8;
	[tilespmem:$0x7FD0] =	vst v63  }
0x26: {  	s26 =	simm.s32 $0x180  }
0x27: {  	[spmem:s1] =	stream.indirect.scatter.add.f32 [tilespmem:s10], [sflag:$0x1], $0x10, s26, s9, $0xb8;
	[tilespmem:$0x7FD0] =	vst v63  }
0x28: {  	s28 =	simm.s32 $0x200  }
0x29: {  	[spmem:s1] =	stream.indirect.scatter.add.f32 [tilespmem:s10], [sflag:$0x1], $0x10, s28, s9, $0xb8;
	[tilespmem:$0x7FD0] =	vst v63  }
0x2a: {  	s29 =	simm.s32 $0x280  }
0x2b: {  	[spmem:s1] =	stream.indirect.scatter.add.f32 [tilespmem:s10], [sflag:$0x1], $0x10, s29, s9, $0xb8;
	[tilespmem:$0x7FD0] =	vst v63  }
0x2c: {  	s30 =	simm.s32 $0x300  }
0x2d: {  	[spmem:s1] =	stream.indirect.scatter.add.f32 [tilespmem:s10], [sflag:$0x1], $0x10, s30, s9, $0xb8;
	[tilespmem:$0x7FD0] =	vst v63  }
0x2e: {  	s31 =	simm.s32 $0x380  }
0x2f: {  	[spmem:s1] =	stream.indirect.scatter.add.f32 [tilespmem:s10], [sflag:$0x1], $0x10, s31, s9, $0xb8;
	[tilespmem:$0x7FD0] =	vst v63  }
0x30: {  	_ =	swait.ge [sflag:s11], $0x7D0  }
0x31: {  	[sflag:s11] =	ssyncset.done $0x0  }
0x32: {  	[sflag:s11] =	ssyncadd.s32 $0xFFFFF830  }
0x33: {  	_ =	swait.ge [sflag:s11], $0x7D0  }
0x34: {  	[sflag:s11] =	ssyncset.done $0x0  }
0x35: {  	[sflag:s11] =	ssyncadd.s32 $0xFFFFF830  }
0x36: {  	_ =	swait.ge [sflag:s11], $0x7D0  }
0x37: {  	[sflag:s11] =	ssyncset.done $0x0  }
0x38: {  	[sflag:s11] =	ssyncadd.s32 $0xFFFFF830  }
0x39: {  	_ =	swait.ge [sflag:s11], $0x7D0  }
0x3a: {  	[sflag:s11] =	ssyncset.done $0x0  }
0x3b: {  	[sflag:s11] =	ssyncadd.s32 $0xFFFFF830  }
0x3c: {  	_ =	swait.ge [sflag:s11], $0x7D0  }
0x3d: {  	[sflag:s11] =	ssyncset.done $0x0  }
0x3e: {  	[sflag:s11] =	ssyncadd.s32 $0xFFFFF830  }
0x3f: {  	_ =	swait.ge [sflag:s11], $0x7D0  }
0x40: {  	[sflag:s11] =	ssyncset.done $0x0  }
0x41: {  	[sflag:s11] =	ssyncadd.s32 $0xFFFFF830  }
0x42: {  	_ =	swait.ge [sflag:s11], $0x7D0  }
0x43: {  	[sflag:s11] =	ssyncset.done $0x0  }
0x44: {  	[sflag:s11] =	ssyncadd.s32 $0xFFFFF830  }
0x45: {  	_ =	swait.ge [sflag:s11], $0x7D0  }
0x46: {  	s16 =	simm.s32 $0x2000;
	s14 =	simm.s32 $0x1000;
	[sflag:s11] =	ssyncset.done $0x0  }
.LBB2_6:
0x47: {  	s17 =	sshra.s32 s14, $0x2  }
0x48: {  	[sflag:s11] =	ssyncadd.s32 $0xFFFFF830;
	s14 =	smov.u32 s16;
	s15 =	sadd.s32 $0x1000, s16  }
0x49: {  	[spmem:s1] =	stream.indirect.scatter.add.f32 [tilespmem:s10], [sflag:$0x1], $0x10, s17, s9, $0xb8;
	[tilespmem:$0x7FD0] =	vst v63  }
0x4a: {  	p0 =	sne.s32 s16, $0x9000;
	s16 =	sadd.s32 $0x80, s17  }
0x4b: {  	[spmem:s1] =	stream.indirect.scatter.add.f32 [tilespmem:s10], [sflag:$0x1], $0x10, s16, s9, $0xb8;
	[tilespmem:$0x7FD0] =	vst v63  }
0x4c: {  	s16 =	sadd.s32 $0x100, s17  }
0x4d: {  	[spmem:s1] =	stream.indirect.scatter.add.f32 [tilespmem:s10], [sflag:$0x1], $0x10, s16, s9, $0xb8;
	[tilespmem:$0x7FD0] =	vst v63  }
0x4e: {  	s16 =	sadd.s32 $0x180, s17  }
0x4f: {  	[spmem:s1] =	stream.indirect.scatter.add.f32 [tilespmem:s10], [sflag:$0x1], $0x10, s16, s9, $0xb8;
	[tilespmem:$0x7FD0] =	vst v63  }
0x50: {  	s16 =	sadd.s32 $0x200, s17  }
0x51: {  	[spmem:s1] =	stream.indirect.scatter.add.f32 [tilespmem:s10], [sflag:$0x1], $0x10, s16, s9, $0xb8;
	[tilespmem:$0x7FD0] =	vst v63  }
0x52: {  	s16 =	sadd.s32 $0x280, s17  }
0x53: {  	[spmem:s1] =	stream.indirect.scatter.add.f32 [tilespmem:s10], [sflag:$0x1], $0x10, s16, s9, $0xb8;
	[tilespmem:$0x7FD0] =	vst v63  }
0x54: {  	s16 =	sadd.s32 $0x300, s17  }
0x55: {  	[spmem:s1] =	stream.indirect.scatter.add.f32 [tilespmem:s10], [sflag:$0x1], $0x10, s16, s9, $0xb8;
	[tilespmem:$0x7FD0] =	vst v63  }
0x56: {  	s16 =	sadd.s32 $0x380, s17  }
0x57: {  	[spmem:s1] =	stream.indirect.scatter.add.f32 [tilespmem:s10], [sflag:$0x1], $0x10, s16, s9, $0xb8;
	[tilespmem:$0x7FD0] =	vst v63  }
0x58: {  	_ =	swait.ge [sflag:s11], $0x7D0  }
0x59: {  	[sflag:s11] =	ssyncset.done $0x0  }
0x5a: {  	[sflag:s11] =	ssyncadd.s32 $0xFFFFF830  }
0x5b: {  	_ =	swait.ge [sflag:s11], $0x7D0  }
0x5c: {  	[sflag:s11] =	ssyncset.done $0x0  }
0x5d: {  	[sflag:s11] =	ssyncadd.s32 $0xFFFFF830  }
0x5e: {  	_ =	swait.ge [sflag:s11], $0x7D0  }
0x5f: {  	[sflag:s11] =	ssyncset.done $0x0  }
0x60: {  	[sflag:s11] =	ssyncadd.s32 $0xFFFFF830  }
0x61: {  	_ =	swait.ge [sflag:s11], $0x7D0  }
0x62: {  	[sflag:s11] =	ssyncset.done $0x0  }
0x63: {  	[sflag:s11] =	ssyncadd.s32 $0xFFFFF830  }
0x64: {  	_ =	swait.ge [sflag:s11], $0x7D0  }
0x65: {  	[sflag:s11] =	ssyncset.done $0x0  }
0x66: {  	[sflag:s11] =	ssyncadd.s32 $0xFFFFF830  }
0x67: {  	_ =	swait.ge [sflag:s11], $0x7D0  }
0x68: {  	[sflag:s11] =	ssyncset.done $0x0  }
0x69: {  	[sflag:s11] =	ssyncadd.s32 $0xFFFFF830  }
.Ltmp2:
0x6a: {  	_ =	swait.ge [sflag:s11], $0x7D0;
	(pc) =	sbr.rel @p0 .LBB2_6-.Ltmp2, $4  }
0x6b: {  	[sflag:s11] =	ssyncset.done $0x0  }
0x6c: {  	[sflag:s11] =	ssyncadd.s32 $0xFFFFF830  }
0x6d: {  	_ =	swait.ge [sflag:s11], $0x7D0  }
0x6e: {  	s16 =	smov.u32 s15;
	[sflag:s11] =	ssyncset.done $0x0  }
0x6f: {  	s14 =	sshra.s32 s14, $0x2;
	[sflag:s11] =	ssyncadd.s32 $0xFFFFF830  }
0x70: {  	[spmem:s1] =	stream.indirect.scatter.add.f32 [tilespmem:s10], [sflag:$0x1], $0x10, s14, s9, $0xb8;
	[tilespmem:$0x7FD0] =	vst v63  }
0x71: {  	s15 =	sadd.s32 $0x80, s14  }
0x72: {  	[spmem:s1] =	stream.indirect.scatter.add.f32 [tilespmem:s10], [sflag:$0x1], $0x10, s15, s9, $0xb8;
	[tilespmem:$0x7FD0] =	vst v63  }
0x73: {  	s26 =	sadd.s32 $0x100, s14  }
0x74: {  	[spmem:s1] =	stream.indirect.scatter.add.f32 [tilespmem:s10], [sflag:$0x1], $0x10, s26, s9, $0xb8;
	[tilespmem:$0x7FD0] =	vst v63  }
0x75: {  	s28 =	sadd.s32 $0x180, s14  }
0x76: {  	[spmem:s1] =	stream.indirect.scatter.add.f32 [tilespmem:s10], [sflag:$0x1], $0x10, s28, s9, $0xb8;
	[tilespmem:$0x7FD0] =	vst v63  }
0x77: {  	s29 =	sadd.s32 $0x200, s14  }
0x78: {  	[spmem:s1] =	stream.indirect.scatter.add.f32 [tilespmem:s10], [sflag:$0x1], $0x10, s29, s9, $0xb8;
	[tilespmem:$0x7FD0] =	vst v63  }
0x79: {  	s30 =	sadd.s32 $0x280, s14  }
0x7a: {  	[spmem:s1] =	stream.indirect.scatter.add.f32 [tilespmem:s10], [sflag:$0x1], $0x10, s30, s9, $0xb8;
	[tilespmem:$0x7FD0] =	vst v63  }
0x7b: {  	s31 =	sadd.s32 $0x300, s14  }
0x7c: {  	[spmem:s1] =	stream.indirect.scatter.add.f32 [tilespmem:s10], [sflag:$0x1], $0x10, s31, s9, $0xb8;
	[tilespmem:$0x7FD0] =	vst v63  }
0x7d: {  	s14 =	sadd.s32 $0x380, s14  }
0x7e: {  	[spmem:s1] =	stream.indirect.scatter.add.f32 [tilespmem:s10], [sflag:$0x1], $0x10, s14, s9, $0xb8;
	[tilespmem:$0x7FD0] =	vst v63  }
0x7f: {  	_ =	swait.ge [sflag:s11], $0x7D0  }
0x80: {  	[sflag:s11] =	ssyncset.done $0x0  }
0x81: {  	[sflag:s11] =	ssyncadd.s32 $0xFFFFF830  }
0x82: {  	_ =	swait.ge [sflag:s11], $0x7D0  }
0x83: {  	[sflag:s11] =	ssyncset.done $0x0  }
0x84: {  	[sflag:s11] =	ssyncadd.s32 $0xFFFFF830  }
0x85: {  	_ =	swait.ge [sflag:s11], $0x7D0  }
0x86: {  	[sflag:s11] =	ssyncset.done $0x0  }
0x87: {  	[sflag:s11] =	ssyncadd.s32 $0xFFFFF830  }
0x88: {  	_ =	swait.ge [sflag:s11], $0x7D0  }
0x89: {  	[sflag:s11] =	ssyncset.done $0x0  }
0x8a: {  	[sflag:s11] =	ssyncadd.s32 $0xFFFFF830  }
0x8b: {  	_ =	swait.ge [sflag:s11], $0x7D0  }
0x8c: {  	[sflag:s11] =	ssyncset.done $0x0  }
0x8d: {  	[sflag:s11] =	ssyncadd.s32 $0xFFFFF830  }
0x8e: {  	_ =	swait.ge [sflag:s11], $0x7D0  }
0x8f: {  	[sflag:s11] =	ssyncset.done $0x0  }
0x90: {  	[sflag:s11] =	ssyncadd.s32 $0xFFFFF830  }
0x91: {  	_ =	swait.ge [sflag:s11], $0x7D0  }
0x92: {  	[sflag:s11] =	ssyncset.done $0x0  }
0x93: {  	[sflag:s11] =	ssyncadd.s32 $0xFFFFF830  }
0x94: {  	_ =	swait.ge [sflag:s11], $0x7D0  }
0x95: {  	[sflag:s11] =	ssyncset.done $0x0  }
0x96: {  	[sflag:s11] =	ssyncadd.s32 $0xFFFFF830  }
0x97: {  	[bflag:$0x0] =	sbarrier.arrive $0xFFFF  }
0x98: {  	[tilespmem:s7], [sflag:$0x2] =	stream.linear.gather [spmem:s4], $0x2800, $0x38;
	[tilespmem:$0x7FD0] =	vst v63  }
0x99: {  	s13 =	sadd.s32 $0x1, s13;
	_ =	swait.ge [sflag:s8], $0x2800  }
0x9a: {  	p0 =	sne.s32 s13, s6;
	[sflag:s8] =	ssyncset.done $0x0  }
.Ltmp3:
0x9b: {  	[sflag:s8] =	ssyncadd.s32 $0xFFFFD800;
	(pc) =	sbr.rel @p0 .LBB2_1-.Ltmp3, $4  }
0x9c: {  	[hbm4b:s12+s3] =	stream.linear.scatter [tilespmem:s7], [sflag:$0x2], $0x2800, $0x38;
	[tilespmem:$0x7FD0] =	vst v63  }
0x9d: {  	_ =	swait.ge [sflag:s8], $0x2800  }
0x9e: {  	[sflag:s8] =	ssyncset.done $0x0  }
0x9f: {  	[sflag:s8] =	ssyncadd.s32 $0xFFFFD800  }
0xa0: {  	_ =	sfence.sel $0x180000  }
0xa1: {  	[bflag:$0x0] =	sbarrier.arrive $0xFFFF  }
0xa2: {  	p0 =	sne.s32 s2, $0x0;
	_ =	strace $0x90000047  }
0xa3: {  	s0 =	sadd.s32 @!p0 $0x100000, s0;
	[bflag:$0x2] =	sbarrier.arrive $0xFFFF  }
0xa4: {  	[sflag:s0] =	ssyncadd.tile.s32 @!p0 $0x1;
	_ =	shalt  }
.Lfunc_end2:
_tile_overlayer_lowered:
.L_overlay_start_2:
0xa5: {  	(tag) =	ssettag $0x2  }
0xa6: {  	s0 =	rddreg [dreg:$0x0];
	s2 =	stileid.u32  }
0xa7: {  	s1 =	rddreg [dreg:$0x1];
	p0 =	sne.s32 s2, $0x0  }
0xa8: {  	s3 =	rddreg [dreg:$0x2];
	[bflag:$0x3] =	sbarrier.arrive $0xFFFF;
	s2 =	simm.s32 @!p0 $0x1C02  }
0xa9: {  	[timem:s3], [sflag:s2] =	dma.local @!p0 [hbm:s0], s1  }
0xaa: {  	s0 =	simm.s32 @!p0 $0x2  }
0xab: {  	_ =	swait.ge @!p0 [sflag:s0], s1  }
0xac: {  	s1 =	ssub.s32 @!p0 $0x0, s1;
	[sflag:s0] =	ssyncset.done @!p0 $0x0  }
0xad: {  	[sflag:s0] =	ssyncadd.s32 @!p0 s1  }
0xae: {  	[bflag:$0x3] =	sbarrier.arrive $0xFFFF  }
0xaf: {  	_ =	shalt  }

</sc_bundles>
